<compile_context>
chip_gen: v7x
topology: tpu7x:2x2x1
jax: 0.10.2.dev20260603
libtpu: 0.0.44.dev20260713+nightly
codegen_flags: <defaults>
</compile_context>

<pallas_src>
import jax
import jax.numpy as jnp
from jax import lax
from jax.experimental import pallas as pl
from jax.experimental.pallas import tpu as pltpu
from jax.experimental.pallas import tpu_sc as plsc

N_NODES = 50000
NP = 51200
NROWS = NP // 128
NE = 819200
NEROWS = NE // 128
HALF = 32
BATCH = 128
CHUNK = 40

_mesh = plsc.VectorSubcoreMesh(core_axis_name="c", subcore_axis_name="s")


def _agg64_body(y_ref, src_ref, dst_ref, ew_ref, out_ref,
                sidx, didx, ewb, ybuf, mbuf, acc, gsem, ssem):
    c = lax.axis_index("c")
    s = lax.axis_index("s")
    zero16 = jnp.zeros((16,), jnp.float32)

    for j in range(BATCH):
        mbuf[j, pl.ds(0, 16)] = zero16
        mbuf[j, pl.ds(16, 16)] = zero16

    def zcp(i, _):
        pltpu.sync_copy(mbuf, acc.at[pl.ds(s * (NP // 16) + i * BATCH, BATCH)])
        return 0

    lax.fori_loop(0, (NP // 16) // BATCH, zcp, 0)
    plsc.subcore_barrier()

    rows_per_sub = NEROWS // 16

    def chunk_body(k, _):
        ebase = s * rows_per_sub + k * CHUNK
        pltpu.sync_copy(src_ref.at[pl.ds(c * NEROWS + ebase, CHUNK)], sidx)
        pltpu.sync_copy(dst_ref.at[pl.ds(ebase, CHUNK)], didx)
        pltpu.sync_copy(ew_ref.at[pl.ds(ebase, CHUNK)], ewb)

        def batch_body(b, _):
            pltpu.async_copy(y_ref.at[sidx.at[b]], ybuf, gsem).wait()
            for g in range(8):
                ew16 = ewb[b, pl.ds(g * 16, 16)]
                for j in range(16):
                    e = g * 16 + j
                    es = ew16[jnp.full((16,), j, jnp.int32)]
                    mbuf[e, pl.ds(0, 16)] = ybuf[e, pl.ds(0, 16)] * es
                    mbuf[e, pl.ds(16, 16)] = ybuf[e, pl.ds(16, 16)] * es
            pltpu.async_copy(mbuf, acc.at[didx.at[b]], ssem, add=True).wait()
            return 0

        lax.fori_loop(0, CHUNK, batch_body, 0)
        return 0

    lax.fori_loop(0, rows_per_sub // CHUNK, chunk_body, 0)
    plsc.subcore_barrier()
    pltpu.sync_copy(acc.at[pl.ds(s * (NP // 16), NP // 16)],
                    out_ref.at[pl.ds(c * NP + s * (NP // 16), NP // 16)])


@jax.jit
def _sc_agg64(yflat, srcoff, dst2d, ew2d):
    return pl.kernel(
        _agg64_body,
        out_type=jax.ShapeDtypeStruct((2 * NP, HALF), jnp.float32),
        mesh=_mesh,
        compiler_params=pltpu.CompilerParams(use_tc_tiling_on_sc=False),
        scratch_types=[
            pltpu.VMEM((CHUNK, BATCH), jnp.int32),
            pltpu.VMEM((CHUNK, BATCH), jnp.int32),
            pltpu.VMEM((CHUNK, BATCH), jnp.float32),
            pltpu.VMEM((BATCH, HALF), jnp.float32),
            pltpu.VMEM((BATCH, HALF), jnp.float32),
            pltpu.VMEM_SHARED((NP, HALF), jnp.float32),
            pltpu.SemaphoreType.DMA,
            pltpu.SemaphoreType.DMA,
        ],
    )(yflat, srcoff, dst2d, ew2d)


def _agg1_body(v_ref, src_ref, dst_ref, ew_ref, out_ref,
               sidx, didx, ewb, xbuf, mbuf, zbuf, acc, gsem, ssem):
    c = lax.axis_index("c")
    s = lax.axis_index("s")
    zero16 = jnp.zeros((16,), jnp.float32)

    def zb(i, _):
        zbuf[pl.ds(i * 16, 16)] = zero16
        return 0

    lax.fori_loop(0, (NP // 16) // 16, zb, 0)
    pltpu.sync_copy(zbuf, acc.at[pl.ds(s * (NP // 16), NP // 16)])
    plsc.subcore_barrier()

    rows_per_sub = (NEROWS // 2) // 16

    def chunk_body(k, _):
        ebase = c * (NEROWS // 2) + s * rows_per_sub + k * CHUNK
        pltpu.sync_copy(src_ref.at[pl.ds(ebase, CHUNK)], sidx)
        pltpu.sync_copy(dst_ref.at[pl.ds(ebase, CHUNK)], didx)
        pltpu.sync_copy(ew_ref.at[pl.ds(ebase, CHUNK)], ewb)

        def batch_body(b, _):
            pltpu.async_copy(v_ref.at[sidx.at[b]], xbuf, gsem).wait()
            for g in range(8):
                mbuf[pl.ds(g * 16, 16)] = (xbuf[pl.ds(g * 16, 16)]
                                           * ewb[b, pl.ds(g * 16, 16)])
            pltpu.async_copy(mbuf, acc.at[didx.at[b]], ssem, add=True).wait()
            return 0

        lax.fori_loop(0, CHUNK, batch_body, 0)
        return 0

    lax.fori_loop(0, rows_per_sub // CHUNK, chunk_body, 0)
    plsc.subcore_barrier()
    pltpu.sync_copy(acc.at[pl.ds(s * (NP // 16), NP // 16)],
                    out_ref.at[pl.ds(c * NP + s * (NP // 16), NP // 16)])


@jax.jit
def _sc_agg1(v, src2d, dst2d, ew2d):
    return pl.kernel(
        _agg1_body,
        out_type=jax.ShapeDtypeStruct((2 * NP,), jnp.float32),
        mesh=_mesh,
        compiler_params=pltpu.CompilerParams(use_tc_tiling_on_sc=False),
        scratch_types=[
            pltpu.VMEM((CHUNK, BATCH), jnp.int32),
            pltpu.VMEM((CHUNK, BATCH), jnp.int32),
            pltpu.VMEM((CHUNK, BATCH), jnp.float32),
            pltpu.VMEM((BATCH,), jnp.float32),
            pltpu.VMEM((BATCH,), jnp.float32),
            pltpu.VMEM((NP // 16,), jnp.float32),
            pltpu.VMEM_SHARED((NP,), jnp.float32),
            pltpu.SemaphoreType.DMA,
            pltpu.SemaphoreType.DMA,
        ],
    )(v, src2d, dst2d, ew2d)


BLK = 1024
GRID = NP // BLK


def _tc1_body(x_ref, agg0_ref, wr0_ref, br0_ref, wk0_ref, wr1_ref, wk1_ref,
              br1_ref, y_ref, r_ref):
    a = agg0_ref[0] + agg0_ref[1]
    x = x_ref[...]
    h = jnp.maximum(a * wr0_ref[...] + br0_ref[...] + x * wk0_ref[...], 0.0)
    y = jnp.dot(h, wr1_ref[...], preferred_element_type=jnp.float32)
    y_ref[0] = y[:, :HALF]
    y_ref[1] = y[:, HALF:]
    r_ref[...] = (jnp.dot(h, wk1_ref[...], preferred_element_type=jnp.float32)
                  + br1_ref[...])


@jax.jit
def _tc1(x2d, agg0, wr0, br0, wk0, wr1, wk1, br1):
    return pl.pallas_call(
        _tc1_body,
        grid=(GRID,),
        in_specs=[
            pl.BlockSpec((BLK, 1), lambda i: (i, 0)),
            pl.BlockSpec((2, BLK, 1), lambda i: (0, i, 0)),
            pl.BlockSpec((1, 64), lambda i: (0, 0)),
            pl.BlockSpec((1, 64), lambda i: (0, 0)),
            pl.BlockSpec((1, 64), lambda i: (0, 0)),
            pl.BlockSpec((64, 64), lambda i: (0, 0)),
            pl.BlockSpec((64, 64), lambda i: (0, 0)),
            pl.BlockSpec((1, 64), lambda i: (0, 0)),
        ],
        out_specs=[
            pl.BlockSpec((2, BLK, HALF), lambda i: (0, i, 0)),
            pl.BlockSpec((BLK, 64), lambda i: (i, 0)),
        ],
        out_shape=[
            jax.ShapeDtypeStruct((2, NP, HALF), jnp.float32),
            jax.ShapeDtypeStruct((NP, 64), jnp.float32),
        ],
    )(x2d, agg0, wr0, br0, wk0, wr1, wk1, br1)


def _tcmid_body(agg_ref, rin_ref, wr_ref, wk_ref, br_ref, y_ref, r_ref):
    h = jnp.maximum(
        jnp.concatenate([agg_ref[0], agg_ref[1]], axis=-1) + rin_ref[...], 0.0)
    y = jnp.dot(h, wr_ref[...], preferred_element_type=jnp.float32)
    y_ref[0] = y[:, :HALF]
    y_ref[1] = y[:, HALF:]
    r_ref[...] = (jnp.dot(h, wk_ref[...], preferred_element_type=jnp.float32)
                  + br_ref[...])


@jax.jit
def _tcmid(agg, rin, wr, wk, br):
    return pl.pallas_call(
        _tcmid_body,
        grid=(GRID,),
        in_specs=[
            pl.BlockSpec((2, BLK, HALF), lambda i: (0, i, 0)),
            pl.BlockSpec((BLK, 64), lambda i: (i, 0)),
            pl.BlockSpec((64, 64), lambda i: (0, 0)),
            pl.BlockSpec((64, 64), lambda i: (0, 0)),
            pl.BlockSpec((1, 64), lambda i: (0, 0)),
        ],
        out_specs=[
            pl.BlockSpec((2, BLK, HALF), lambda i: (0, i, 0)),
            pl.BlockSpec((BLK, 64), lambda i: (i, 0)),
        ],
        out_shape=[
            jax.ShapeDtypeStruct((2, NP, HALF), jnp.float32),
            jax.ShapeDtypeStruct((NP, 64), jnp.float32),
        ],
    )(agg, rin, wr, wk, br)


def _tc4_body(agg_ref, rin_ref, wr4_ref, wk4_ref, br4_ref, y4_ref, r4_ref):
    h = jnp.maximum(
        jnp.concatenate([agg_ref[0], agg_ref[1]], axis=-1) + rin_ref[...], 0.0)
    y4 = jnp.dot(h, wr4_ref[...], preferred_element_type=jnp.float32)
    r4 = (jnp.dot(h, wk4_ref[...], preferred_element_type=jnp.float32)
          + br4_ref[...])
    y4_ref[...] = y4
    r4_ref[...] = r4


@jax.jit
def _tc4(agg, rin, wr4, wk4, br4):
    return pl.pallas_call(
        _tc4_body,
        grid=(GRID,),
        in_specs=[
            pl.BlockSpec((2, BLK, HALF), lambda i: (0, i, 0)),
            pl.BlockSpec((BLK, 64), lambda i: (i, 0)),
            pl.BlockSpec((64, 1), lambda i: (0, 0)),
            pl.BlockSpec((64, 1), lambda i: (0, 0)),
            pl.BlockSpec((1, 1), lambda i: (0, 0)),
        ],
        out_specs=[
            pl.BlockSpec((BLK, 1), lambda i: (i, 0)),
            pl.BlockSpec((BLK, 1), lambda i: (i, 0)),
        ],
        out_shape=[
            jax.ShapeDtypeStruct((NP, 1), jnp.float32),
            jax.ShapeDtypeStruct((NP, 1), jnp.float32),
        ],
    )(agg, rin, wr4, wk4, br4)


def _tc5_body(agg4_ref, r4_ref, out_ref):
    s = agg4_ref[0] + agg4_ref[1] + r4_ref[...]
    out_ref[...] = 1.0 / (1.0 + jnp.exp(-s))


@jax.jit
def _tc5(agg4, r4):
    return pl.pallas_call(
        _tc5_body,
        grid=(GRID,),
        in_specs=[
            pl.BlockSpec((2, BLK, 1), lambda i: (0, i, 0)),
            pl.BlockSpec((BLK, 1), lambda i: (i, 0)),
        ],
        out_specs=pl.BlockSpec((BLK, 1), lambda i: (i, 0)),
        out_shape=jax.ShapeDtypeStruct((NP, 1), jnp.float32),
    )(agg4, r4)


def kernel(x, edge_index, edge_weight, Wrel0, brel0, Wroot0, Wrel1, brel1,
           Wroot1, Wrel2, brel2, Wroot2, Wrel3, brel3, Wroot3, Wrel4, brel4,
           Wroot4):
    ne = edge_index.shape[1]
    pad_e = NE - ne
    src = jnp.concatenate(
        [edge_index[0].astype(jnp.int32),
         jnp.full((pad_e,), NP - 1, jnp.int32)])
    dst2d = jnp.concatenate(
        [edge_index[1].astype(jnp.int32),
         jnp.full((pad_e,), NP - 1, jnp.int32)]).reshape(NEROWS, BATCH)
    ew2d = jnp.concatenate(
        [edge_weight, jnp.zeros((pad_e,), jnp.float32)]).reshape(NEROWS, BATCH)
    src2d = src.reshape(NEROWS, BATCH)
    srcoff = jnp.concatenate(
        [src2d, src2d + NP], axis=0)

    xflat = jnp.pad(x[:, 0], (0, NP - N_NODES))

    agg0 = _sc_agg1(xflat, src2d, dst2d, ew2d).reshape(2, NP, 1)
    y1, r1 = _tc1(xflat.reshape(NP, 1), agg0, Wrel0.reshape(1, 64), brel0.reshape(1, 64),
                  Wroot0.reshape(1, 64), Wrel1, Wroot1, brel1.reshape(1, 64))
    a1 = _sc_agg64(y1.reshape(2 * NP, HALF), srcoff, dst2d, ew2d)
    y2, r2 = _tcmid(a1.reshape(2, NP, HALF), r1, Wrel2, Wroot2,
                    brel2.reshape(1, 64))
    a2 = _sc_agg64(y2.reshape(2 * NP, HALF), srcoff, dst2d, ew2d)
    y3, r3 = _tcmid(a2.reshape(2, NP, HALF), r2, Wrel3, Wroot3,
                    brel3.reshape(1, 64))
    a3 = _sc_agg64(y3.reshape(2 * NP, HALF), srcoff, dst2d, ew2d)
    y4, r4 = _tc4(a3.reshape(2, NP, HALF), r3, Wrel4, Wroot4,
                  brel4.reshape(1, 1))
    agg4 = _sc_agg1(y4.reshape(NP), src2d, dst2d, ew2d).reshape(2, NP, 1)
    out2d = _tc5(agg4, r4)
    return out2d[:N_NODES]

# --- scband reference (transcript-rebuilt; emitter-appended) ---
"""Pipeline reference for scband-model-graph-conv-10282151707097 (READ-ONLY COPY).

The authoritative reference and input builder live on the scoring server;
editing this copy changes nothing except your own understanding.
"""

import jax, jax.numpy as jnp
import numpy as np

N_NODES = 50000
N_EDGES = 800000
HIDDEN = 64
NUM_LAYERS = 5


def _glorot(key, shape):
    fan_in, fan_out = shape[0], shape[1]
    lim = float(np.sqrt(6.0 / (fan_in + fan_out)))
    return jax.random.uniform(key, shape, jnp.float32, -lim, lim)


def setup_inputs(seed: int = 0) -> dict:
    key = jax.random.key(seed)
    ks = jax.random.split(key, 4 + 3 * NUM_LAYERS)
    inp = {
        'x': jax.random.normal(ks[0], (N_NODES, 1), jnp.float32),
        'edge_index': jax.random.randint(ks[1], (2, N_EDGES), 0, N_NODES, jnp.int64),
        'edge_weight': jax.random.uniform(ks[2], (N_EDGES,), jnp.float32),
    }
    dims = [1] + [HIDDEN] * (NUM_LAYERS - 1) + [1]
    for i in range(NUM_LAYERS):
        din, dout = dims[i], dims[i + 1]
        inp[f'Wrel{i}'] = _glorot(ks[3 + 3 * i], (din, dout))
        inp[f'brel{i}'] = jnp.zeros((dout,), jnp.float32)
        inp[f'Wroot{i}'] = _glorot(ks[4 + 3 * i], (din, dout))
    return inp


def _graph_conv(x, src, dst, ew, Wrel, brel, Wroot):
    # PyG GraphConv: out = lin_rel(sum_{j in N(i)} w_ij * x_j) + lin_root(x_i)
    msgs = ew[:, None] * jnp.take(x, src, axis=0)
    agg = jax.ops.segment_sum(msgs, dst, num_segments=N_NODES)
    return agg @ Wrel + brel + x @ Wroot


def reference(x, edge_index, edge_weight, Wrel0, brel0, Wroot0, Wrel1, brel1, Wroot1,
              Wrel2, brel2, Wroot2, Wrel3, brel3, Wroot3, Wrel4, brel4, Wroot4):
    src = edge_index[0]
    dst = edge_index[1]
    params = [(Wrel0, brel0, Wroot0), (Wrel1, brel1, Wroot1), (Wrel2, brel2, Wroot2),
              (Wrel3, brel3, Wroot3), (Wrel4, brel4, Wroot4)]
    h = x
    for i in range(NUM_LAYERS - 1):
        Wr, br, Wk = params[i]
        h = _graph_conv(h, src, dst, edge_weight, Wr, br, Wk)
        h = jax.nn.relu(h)
        # dropout omitted for deterministic reference (eval-mode equivalent)
    Wr, br, Wk = params[-1]
    h = _graph_conv(h, src, dst, edge_weight, Wr, br, Wk)
    return jax.nn.sigmoid(h)

if __name__ == "__main__":
    import jax
    _d = setup_inputs()
    print(jax.jit(kernel)(*tuple(_d.values())))

</pallas_src>

<mosaic_0001>
#map = affine_map<(d0, d1) -> (0)>
#map1 = affine_map<(d0, d1) -> (0, 0)>
module attributes {stable_mosaic.version = 14 : i64} {
  func.func @_agg1_body(%arg0: i32, %arg1: i32, %arg2: memref<51200xf32, #tpu.memory_space<hbm>>, %arg3: memref<6400x128xi32, #tpu.memory_space<hbm>>, %arg4: memref<6400x128xi32, #tpu.memory_space<hbm>>, %arg5: memref<6400x128xf32, #tpu.memory_space<hbm>>, %arg6: memref<102400xf32, #tpu.memory_space<hbm>>, %arg7: memref<40x128xi32, #tpu.memory_space<vmem>>, %arg8: memref<40x128xi32, #tpu.memory_space<vmem>>, %arg9: memref<40x128xf32, #tpu.memory_space<vmem>>, %arg10: memref<128xf32, #tpu.memory_space<vmem>>, %arg11: memref<128xf32, #tpu.memory_space<vmem>>, %arg12: memref<3200xf32, #tpu.memory_space<vmem>>, %arg13: memref<51200xf32, #tpu.memory_space<vmem_shared>>, %arg14: memref<!tpu.dma_semaphore, #tpu.memory_space<semaphore_mem>>, %arg15: memref<!tpu.dma_semaphore, #tpu.memory_space<semaphore_mem>>) attributes {dimension_semantics = [#tpu.dimension_semantics<core_parallel>, #tpu.dimension_semantics<subcore_parallel>], iteration_bounds = array<i64: 2, 16>, scalar_prefetch = 0 : i64, scratch_operands = 9 : i64, tpu.core_type = #tpu.core_type<sc_vector_subcore>, window_params = [{transform_indices = #map}, {transform_indices = #map1}, {transform_indices = #map1}, {transform_indices = #map1}, {transform_indices = #map}]} {
    %broadcast_in_dim3A = arith.constant 0.000000e+00 : f32
    %broadcast_in_dim3A_0 = vector.broadcast %broadcast_in_dim3A : f32 to vector<16xf32>
    %scan3A = arith.constant 0 : i32
    %scan3A_1 = arith.constant 0 : i32
    %scan3A_2 = arith.constant 200 : i32
    %scan3A_3 = arith.addi %scan3A_1, %scan3A_2 : i32
    %scan3A_4 = arith.constant 1 : i32
    %scan3A_5 = scf.for %scan3A_22 = %scan3A_1 to %scan3A_3 step %scan3A_4 iter_args(%scan3A_23 = %scan3A) -> (i32)  : i32 {
      %mul3A_24 = arith.constant 16 : i32
      %mul3A_25 = arith.muli %scan3A_22, %mul3A_24 : i32
      %swap3A = arith.index_cast %mul3A_25 : i32 to index
      %swap3A_26 = tpu.vector_load %arg12[%swap3A] {strides = array<i32>} : memref<3200xf32, #tpu.memory_space<vmem>>, vector<16xf32>,
      %swap3A_27 = vector.shape_cast %swap3A_26 : vector<16xf32> to vector<16xf32>
      %swap3A_28 = vector.shape_cast %broadcast_in_dim3A_0 : vector<16xf32> to vector<16xf32>
      tpu.vector_store %arg12[%swap3A], %swap3A_28 {strides = array<i32>} : memref<3200xf32, #tpu.memory_space<vmem>>, vector<16xf32>,
      %scan3A_29 = arith.constant 0 : i32
      scf.yield %scan3A_29 : i32
    }
    %scan3A_6 = arith.constant 200 : i32
    %mul3A = arith.constant 3200 : i32
    %mul3A_7 = arith.muli %arg1, %mul3A : i32
    "tpu.region"() ({
      %run_scoped3A = tpu.sem_alloc : memref<!tpu.dma_semaphore, #tpu.memory_space<semaphore_mem>>
      %dma_start3A = tpu.memref_slice %arg13[%mul3A_7] : memref<51200xf32, #tpu.memory_space<vmem_shared>> -> memref<3200xf32, #tpu.memory_space<vmem_shared>>
      %dma_start3A_22 = tpu.memref_slice %arg13[%mul3A_7] : memref<51200xf32, #tpu.memory_space<vmem_shared>> -> memref<3200xf32, #tpu.memory_space<vmem_shared>>
      tpu.enqueue_dma source(%arg12 : memref<3200xf32, #tpu.memory_space<vmem>>) target(%dma_start3A_22 : memref<3200xf32, #tpu.memory_space<vmem_shared>>) target_semaphore(%run_scoped3A : memref<!tpu.dma_semaphore, #tpu.memory_space<semaphore_mem>>)
      %dma_wait3A = tpu.memref_slice %arg13[%mul3A_7] : memref<51200xf32, #tpu.memory_space<vmem_shared>> -> memref<3200xf32, #tpu.memory_space<vmem_shared>>
      %dma_wait3A_23 = tpu.memref_slice %arg13[%mul3A_7] : memref<51200xf32, #tpu.memory_space<vmem_shared>> -> memref<3200xf32, #tpu.memory_space<vmem_shared>>
      tpu.wait_dma2 semaphore(%run_scoped3A : memref<!tpu.dma_semaphore, #tpu.memory_space<semaphore_mem>>) src(%arg12 : memref<3200xf32, #tpu.memory_space<vmem>>) dst(%dma_wait3A_23 : memref<3200xf32, #tpu.memory_space<vmem_shared>>)
      tpu.yield
    }) : () -> ()
    %barrier3A = arith.constant 0 : index
    tpu.barrier barrier_id(%barrier3A)
    %scan3A_8 = arith.constant 0 : i32
    %scan3A_9 = arith.constant 0 : i32
    %scan3A_10 = arith.constant 5 : i32
    %scan3A_11 = arith.addi %scan3A_9, %scan3A_10 : i32
    %scan3A_12 = arith.constant 1 : i32
    %scan3A_13 = scf.for %scan3A_22 = %scan3A_9 to %scan3A_11 step %scan3A_12 iter_args(%scan3A_23 = %scan3A_8) -> (i32)  : i32 {
      %mul3A_24 = arith.constant 3200 : i32
      %mul3A_25 = arith.muli %arg0, %mul3A_24 : i32
      %mul3A_26 = arith.constant 200 : i32
      %mul3A_27 = arith.muli %arg1, %mul3A_26 : i32
      %add3A_28 = arith.addi %mul3A_25, %mul3A_27 : i32
      %mul3A_29 = arith.constant 40 : i32
      %mul3A_30 = arith.muli %scan3A_22, %mul3A_29 : i32
      %add3A_31 = arith.addi %add3A_28, %mul3A_30 : i32
      "tpu.region"() ({
        %run_scoped3A = tpu.sem_alloc : memref<!tpu.dma_semaphore, #tpu.memory_space<semaphore_mem>>
        %dma_start3A = arith.constant 0 : i32
        %dma_start3A_40 = tpu.memref_slice %arg3[%add3A_31, %dma_start3A] : memref<6400x128xi32, #tpu.memory_space<hbm>> -> memref<40x128xi32, #tpu.memory_space<hbm>>
        %dma_start3A_41 = arith.constant 0 : i32
        %dma_start3A_42 = tpu.memref_slice %arg3[%add3A_31, %dma_start3A_41] : memref<6400x128xi32, #tpu.memory_space<hbm>> -> memref<40x128xi32, #tpu.memory_space<hbm>>
        tpu.enqueue_dma source(%dma_start3A_42 : memref<40x128xi32, #tpu.memory_space<hbm>>) target(%arg7 : memref<40x128xi32, #tpu.memory_space<vmem>>) target_semaphore(%run_scoped3A : memref<!tpu.dma_semaphore, #tpu.memory_space<semaphore_mem>>)
        %dma_wait3A = arith.constant 0 : i32
        %dma_wait3A_43 = tpu.memref_slice %arg3[%add3A_31, %dma_wait3A] : memref<6400x128xi32, #tpu.memory_space<hbm>> -> memref<40x128xi32, #tpu.memory_space<hbm>>
        %dma_wait3A_44 = arith.constant 0 : i32
        %dma_wait3A_45 = tpu.memref_slice %arg3[%add3A_31, %dma_wait3A_44] : memref<6400x128xi32, #tpu.memory_space<hbm>> -> memref<40x128xi32, #tpu.memory_space<hbm>>
        tpu.wait_dma2 semaphore(%run_scoped3A : memref<!tpu.dma_semaphore, #tpu.memory_space<semaphore_mem>>) src(%dma_wait3A_45 : memref<40x128xi32, #tpu.memory_space<hbm>>) dst(%arg7 : memref<40x128xi32, #tpu.memory_space<vmem>>)
        tpu.yield
      }) : () -> ()
      "tpu.region"() ({
        %run_scoped3A = tpu.sem_alloc : memref<!tpu.dma_semaphore, #tpu.memory_space<semaphore_mem>>
        %dma_start3A = arith.constant 0 : i32
        %dma_start3A_40 = tpu.memref_slice %arg4[%add3A_31, %dma_start3A] : memref<6400x128xi32, #tpu.memory_space<hbm>> -> memref<40x128xi32, #tpu.memory_space<hbm>>
        %dma_start3A_41 = arith.constant 0 : i32
        %dma_start3A_42 = tpu.memref_slice %arg4[%add3A_31, %dma_start3A_41] : memref<6400x128xi32, #tpu.memory_space<hbm>> -> memref<40x128xi32, #tpu.memory_space<hbm>>
        tpu.enqueue_dma source(%dma_start3A_42 : memref<40x128xi32, #tpu.memory_space<hbm>>) target(%arg8 : memref<40x128xi32, #tpu.memory_space<vmem>>) target_semaphore(%run_scoped3A : memref<!tpu.dma_semaphore, #tpu.memory_space<semaphore_mem>>)
        %dma_wait3A = arith.constant 0 : i32
        %dma_wait3A_43 = tpu.memref_slice %arg4[%add3A_31, %dma_wait3A] : memref<6400x128xi32, #tpu.memory_space<hbm>> -> memref<40x128xi32, #tpu.memory_space<hbm>>
        %dma_wait3A_44 = arith.constant 0 : i32
        %dma_wait3A_45 = tpu.memref_slice %arg4[%add3A_31, %dma_wait3A_44] : memref<6400x128xi32, #tpu.memory_space<hbm>> -> memref<40x128xi32, #tpu.memory_space<hbm>>
        tpu.wait_dma2 semaphore(%run_scoped3A : memref<!tpu.dma_semaphore, #tpu.memory_space<semaphore_mem>>) src(%dma_wait3A_45 : memref<40x128xi32, #tpu.memory_space<hbm>>) dst(%arg8 : memref<40x128xi32, #tpu.memory_space<vmem>>)
        tpu.yield
      }) : () -> ()
      "tpu.region"() ({
        %run_scoped3A = tpu.sem_alloc : memref<!tpu.dma_semaphore, #tpu.memory_space<semaphore_mem>>
        %dma_start3A = arith.constant 0 : i32
        %dma_start3A_40 = tpu.memref_slice %arg5[%add3A_31, %dma_start3A] : memref<6400x128xf32, #tpu.memory_space<hbm>> -> memref<40x128xf32, #tpu.memory_space<hbm>>
        %dma_start3A_41 = arith.constant 0 : i32
        %dma_start3A_42 = tpu.memref_slice %arg5[%add3A_31, %dma_start3A_41] : memref<6400x128xf32, #tpu.memory_space<hbm>> -> memref<40x128xf32, #tpu.memory_space<hbm>>
        tpu.enqueue_dma source(%dma_start3A_42 : memref<40x128xf32, #tpu.memory_space<hbm>>) target(%arg9 : memref<40x128xf32, #tpu.memory_space<vmem>>) target_semaphore(%run_scoped3A : memref<!tpu.dma_semaphore, #tpu.memory_space<semaphore_mem>>)
        %dma_wait3A = arith.constant 0 : i32
        %dma_wait3A_43 = tpu.memref_slice %arg5[%add3A_31, %dma_wait3A] : memref<6400x128xf32, #tpu.memory_space<hbm>> -> memref<40x128xf32, #tpu.memory_space<hbm>>
        %dma_wait3A_44 = arith.constant 0 : i32
        %dma_wait3A_45 = tpu.memref_slice %arg5[%add3A_31, %dma_wait3A_44] : memref<6400x128xf32, #tpu.memory_space<hbm>> -> memref<40x128xf32, #tpu.memory_space<hbm>>
        tpu.wait_dma2 semaphore(%run_scoped3A : memref<!tpu.dma_semaphore, #tpu.memory_space<semaphore_mem>>) src(%dma_wait3A_45 : memref<40x128xf32, #tpu.memory_space<hbm>>) dst(%arg9 : memref<40x128xf32, #tpu.memory_space<vmem>>)
        tpu.yield
      }) : () -> ()
      %scan3A_32 = arith.constant 0 : i32
      %scan3A_33 = arith.constant 0 : i32
      %scan3A_34 = arith.constant 40 : i32
      %scan3A_35 = arith.addi %scan3A_33, %scan3A_34 : i32
      %scan3A_36 = arith.constant 1 : i32
      %scan3A_37 = scf.for %scan3A_40 = %scan3A_33 to %scan3A_35 step %scan3A_36 iter_args(%scan3A_41 = %scan3A_32) -> (i32)  : i32 {
        %dma_start3A = arith.constant 0 : i32
        %dma_start3A_42 = tpu.memref_slice %arg7[%scan3A_40, %dma_start3A] : memref<40x128xi32, #tpu.memory_space<vmem>> -> memref<1x128xi32, #tpu.memory_space<vmem>>
        %dma_start3A_43 = tpu.memref_squeeze %dma_start3A_42 : memref<1x128xi32, #tpu.memory_space<vmem>> -> memref<128xi32, #tpu.memory_space<vmem>>
        %dma_start3A_44 = arith.constant 0 : i32
        %dma_start3A_45 = tpu.memref_slice %arg2[%dma_start3A_44] : memref<51200xf32, #tpu.memory_space<hbm>> -> memref<51200xf32, #tpu.memory_space<hbm>>
        tpu.enqueue_indirect_dma source(%dma_start3A_45 : memref<51200xf32, #tpu.memory_space<hbm>>) target(%arg10 : memref<128xf32, #tpu.memory_space<vmem>>) offsets(%dma_start3A_43 : memref<128xi32, #tpu.memory_space<vmem>>) semaphore(%arg14 : memref<!tpu.dma_semaphore, #tpu.memory_space<semaphore_mem>>)
        %dma_wait3A = arith.constant 0 : i32
        %dma_wait3A_46 = tpu.memref_slice %arg7[%scan3A_40, %dma_wait3A] : memref<40x128xi32, #tpu.memory_space<vmem>> -> memref<1x128xi32, #tpu.memory_space<vmem>>
        %dma_wait3A_47 = tpu.memref_squeeze %dma_wait3A_46 : memref<1x128xi32, #tpu.memory_space<vmem>> -> memref<128xi32, #tpu.memory_space<vmem>>
        %dma_wait3A_48 = arith.constant 0 : i32
        %dma_wait3A_49 = tpu.memref_slice %arg2[%dma_wait3A_48] : memref<51200xf32, #tpu.memory_space<hbm>> -> memref<51200xf32, #tpu.memory_space<hbm>>
        tpu.wait_indirect_dma semaphore(%arg14 : memref<!tpu.dma_semaphore, #tpu.memory_space<semaphore_mem>>) src(%dma_wait3A_49 : memref<51200xf32, #tpu.memory_space<hbm>>) dst(%arg10 : memref<128xf32, #tpu.memory_space<vmem>>)
        %get3A = arith.constant 0 : index
        %get3A_50 = tpu.vector_load %arg10[%get3A] {strides = array<i32>} : memref<128xf32, #tpu.memory_space<vmem>>, vector<16xf32>,
        %get3A_51 = vector.shape_cast %get3A_50 : vector<16xf32> to vector<16xf32>
        %get3A_52 = arith.index_cast %scan3A_40 : i32 to index
        %get3A_53 = arith.constant 0 : index
        %get3A_54 = tpu.vector_load %arg9[%get3A_52, %get3A_53] {strides = array<i32>} : memref<40x128xf32, #tpu.memory_space<vmem>>, vector<1x16xf32>,
        %get3A_55 = vector.shape_cast %get3A_54 : vector<1x16xf32> to vector<16xf32>
        %mul3A_56 = arith.mulf %get3A_51, %get3A_55 : vector<16xf32>
        %swap3A = arith.constant 0 : index
        %swap3A_57 = tpu.vector_load %arg11[%swap3A] {strides = array<i32>} : memref<128xf32, #tpu.memory_space<vmem>>, vector<16xf32>,
        %swap3A_58 = vector.shape_cast %swap3A_57 : vector<16xf32> to vector<16xf32>
        %swap3A_59 = vector.shape_cast %mul3A_56 : vector<16xf32> to vector<16xf32>
        tpu.vector_store %arg11[%swap3A], %swap3A_59 {strides = array<i32>} : memref<128xf32, #tpu.memory_space<vmem>>, vector<16xf32>,
        %get3A_60 = arith.constant 16 : index
        %get3A_61 = tpu.vector_load %arg10[%get3A_60] {strides = array<i32>} : memref<128xf32, #tpu.memory_space<vmem>>, vector<16xf32>,
        %get3A_62 = vector.shape_cast %get3A_61 : vector<16xf32> to vector<16xf32>
        %get3A_63 = arith.index_cast %scan3A_40 : i32 to index
        %get3A_64 = arith.constant 16 : index
        %get3A_65 = tpu.vector_load %arg9[%get3A_63, %get3A_64] {strides = array<i32>} : memref<40x128xf32, #tpu.memory_space<vmem>>, vector<1x16xf32>,
        %get3A_66 = vector.shape_cast %get3A_65 : vector<1x16xf32> to vector<16xf32>
        %mul3A_67 = arith.mulf %get3A_62, %get3A_66 : vector<16xf32>
        %swap3A_68 = arith.constant 16 : index
        %swap3A_69 = tpu.vector_load %arg11[%swap3A_68] {strides = array<i32>} : memref<128xf32, #tpu.memory_space<vmem>>, vector<16xf32>,
        %swap3A_70 = vector.shape_cast %swap3A_69 : vector<16xf32> to vector<16xf32>
        %swap3A_71 = vector.shape_cast %mul3A_67 : vector<16xf32> to vector<16xf32>
        tpu.vector_store %arg11[%swap3A_68], %swap3A_71 {strides = array<i32>} : memref<128xf32, #tpu.memory_space<vmem>>, vector<16xf32>,
        %get3A_72 = arith.constant 32 : index
        %get3A_73 = tpu.vector_load %arg10[%get3A_72] {strides = array<i32>} : memref<128xf32, #tpu.memory_space<vmem>>, vector<16xf32>,
        %get3A_74 = vector.shape_cast %get3A_73 : vector<16xf32> to vector<16xf32>
        %get3A_75 = arith.index_cast %scan3A_40 : i32 to index
        %get3A_76 = arith.constant 32 : index
        %get3A_77 = tpu.vector_load %arg9[%get3A_75, %get3A_76] {strides = array<i32>} : memref<40x128xf32, #tpu.memory_space<vmem>>, vector<1x16xf32>,
        %get3A_78 = vector.shape_cast %get3A_77 : vector<1x16xf32> to vector<16xf32>
        %mul3A_79 = arith.mulf %get3A_74, %get3A_78 : vector<16xf32>
        %swap3A_80 = arith.constant 32 : index
        %swap3A_81 = tpu.vector_load %arg11[%swap3A_80] {strides = array<i32>} : memref<128xf32, #tpu.memory_space<vmem>>, vector<16xf32>,
        %swap3A_82 = vector.shape_cast %swap3A_81 : vector<16xf32> to vector<16xf32>
        %swap3A_83 = vector.shape_cast %mul3A_79 : vector<16xf32> to vector<16xf32>
        tpu.vector_store %arg11[%swap3A_80], %swap3A_83 {strides = array<i32>} : memref<128xf32, #tpu.memory_space<vmem>>, vector<16xf32>,
        %get3A_84 = arith.constant 48 : index
        %get3A_85 = tpu.vector_load %arg10[%get3A_84] {strides = array<i32>} : memref<128xf32, #tpu.memory_space<vmem>>, vector<16xf32>,
        %get3A_86 = vector.shape_cast %get3A_85 : vector<16xf32> to vector<16xf32>
        %get3A_87 = arith.index_cast %scan3A_40 : i32 to index
        %get3A_88 = arith.constant 48 : index
        %get3A_89 = tpu.vector_load %arg9[%get3A_87, %get3A_88] {strides = array<i32>} : memref<40x128xf32, #tpu.memory_space<vmem>>, vector<1x16xf32>,
        %get3A_90 = vector.shape_cast %get3A_89 : vector<1x16xf32> to vector<16xf32>
        %mul3A_91 = arith.mulf %get3A_86, %get3A_90 : vector<16xf32>
        %swap3A_92 = arith.constant 48 : index
        %swap3A_93 = tpu.vector_load %arg11[%swap3A_92] {strides = array<i32>} : memref<128xf32, #tpu.memory_space<vmem>>, vector<16xf32>,
        %swap3A_94 = vector.shape_cast %swap3A_93 : vector<16xf32> to vector<16xf32>
        %swap3A_95 = vector.shape_cast %mul3A_91 : vector<16xf32> to vector<16xf32>
        tpu.vector_store %arg11[%swap3A_92], %swap3A_95 {strides = array<i32>} : memref<128xf32, #tpu.memory_space<vmem>>, vector<16xf32>,
        %get3A_96 = arith.constant 64 : index
        %get3A_97 = tpu.vector_load %arg10[%get3A_96] {strides = array<i32>} : memref<128xf32, #tpu.memory_space<vmem>>, vector<16xf32>,
        %get3A_98 = vector.shape_cast %get3A_97 : vector<16xf32> to vector<16xf32>
        %get3A_99 = arith.index_cast %scan3A_40 : i32 to index
        %get3A_100 = arith.constant 64 : index
        %get3A_101 = tpu.vector_load %arg9[%get3A_99, %get3A_100] {strides = array<i32>} : memref<40x128xf32, #tpu.memory_space<vmem>>, vector<1x16xf32>,
        %get3A_102 = vector.shape_cast %get3A_101 : vector<1x16xf32> to vector<16xf32>
        %mul3A_103 = arith.mulf %get3A_98, %get3A_102 : vector<16xf32>
        %swap3A_104 = arith.constant 64 : index
        %swap3A_105 = tpu.vector_load %arg11[%swap3A_104] {strides = array<i32>} : memref<128xf32, #tpu.memory_space<vmem>>, vector<16xf32>,
        %swap3A_106 = vector.shape_cast %swap3A_105 : vector<16xf32> to vector<16xf32>
        %swap3A_107 = vector.shape_cast %mul3A_103 : vector<16xf32> to vector<16xf32>
        tpu.vector_store %arg11[%swap3A_104], %swap3A_107 {strides = array<i32>} : memref<128xf32, #tpu.memory_space<vmem>>, vector<16xf32>,
        %get3A_108 = arith.constant 80 : index
        %get3A_109 = tpu.vector_load %arg10[%get3A_108] {strides = array<i32>} : memref<128xf32, #tpu.memory_space<vmem>>, vector<16xf32>,
        %get3A_110 = vector.shape_cast %get3A_109 : vector<16xf32> to vector<16xf32>
        %get3A_111 = arith.index_cast %scan3A_40 : i32 to index
        %get3A_112 = arith.constant 80 : index
        %get3A_113 = tpu.vector_load %arg9[%get3A_111, %get3A_112] {strides = array<i32>} : memref<40x128xf32, #tpu.memory_space<vmem>>, vector<1x16xf32>,
        %get3A_114 = vector.shape_cast %get3A_113 : vector<1x16xf32> to vector<16xf32>
        %mul3A_115 = arith.mulf %get3A_110, %get3A_114 : vector<16xf32>
        %swap3A_116 = arith.constant 80 : index
        %swap3A_117 = tpu.vector_load %arg11[%swap3A_116] {strides = array<i32>} : memref<128xf32, #tpu.memory_space<vmem>>, vector<16xf32>,
        %swap3A_118 = vector.shape_cast %swap3A_117 : vector<16xf32> to vector<16xf32>
        %swap3A_119 = vector.shape_cast %mul3A_115 : vector<16xf32> to vector<16xf32>
        tpu.vector_store %arg11[%swap3A_116], %swap3A_119 {strides = array<i32>} : memref<128xf32, #tpu.memory_space<vmem>>, vector<16xf32>,
        %get3A_120 = arith.constant 96 : index
        %get3A_121 = tpu.vector_load %arg10[%get3A_120] {strides = array<i32>} : memref<128xf32, #tpu.memory_space<vmem>>, vector<16xf32>,
        %get3A_122 = vector.shape_cast %get3A_121 : vector<16xf32> to vector<16xf32>
        %get3A_123 = arith.index_cast %scan3A_40 : i32 to index
        %get3A_124 = arith.constant 96 : index
        %get3A_125 = tpu.vector_load %arg9[%get3A_123, %get3A_124] {strides = array<i32>} : memref<40x128xf32, #tpu.memory_space<vmem>>, vector<1x16xf32>,
        %get3A_126 = vector.shape_cast %get3A_125 : vector<1x16xf32> to vector<16xf32>
        %mul3A_127 = arith.mulf %get3A_122, %get3A_126 : vector<16xf32>
        %swap3A_128 = arith.constant 96 : index
        %swap3A_129 = tpu.vector_load %arg11[%swap3A_128] {strides = array<i32>} : memref<128xf32, #tpu.memory_space<vmem>>, vector<16xf32>,
        %swap3A_130 = vector.shape_cast %swap3A_129 : vector<16xf32> to vector<16xf32>
        %swap3A_131 = vector.shape_cast %mul3A_127 : vector<16xf32> to vector<16xf32>
        tpu.vector_store %arg11[%swap3A_128], %swap3A_131 {strides = array<i32>} : memref<128xf32, #tpu.memory_space<vmem>>, vector<16xf32>,
        %get3A_132 = arith.constant 112 : index
        %get3A_133 = tpu.vector_load %arg10[%get3A_132] {strides = array<i32>} : memref<128xf32, #tpu.memory_space<vmem>>, vector<16xf32>,
        %get3A_134 = vector.shape_cast %get3A_133 : vector<16xf32> to vector<16xf32>
        %get3A_135 = arith.index_cast %scan3A_40 : i32 to index
        %get3A_136 = arith.constant 112 : index
        %get3A_137 = tpu.vector_load %arg9[%get3A_135, %get3A_136] {strides = array<i32>} : memref<40x128xf32, #tpu.memory_space<vmem>>, vector<1x16xf32>,
        %get3A_138 = vector.shape_cast %get3A_137 : vector<1x16xf32> to vector<16xf32>
        %mul3A_139 = arith.mulf %get3A_134, %get3A_138 : vector<16xf32>
        %swap3A_140 = arith.constant 112 : index
        %swap3A_141 = tpu.vector_load %arg11[%swap3A_140] {strides = array<i32>} : memref<128xf32, #tpu.memory_space<vmem>>, vector<16xf32>,
        %swap3A_142 = vector.shape_cast %swap3A_141 : vector<16xf32> to vector<16xf32>
        %swap3A_143 = vector.shape_cast %mul3A_139 : vector<16xf32> to vector<16xf32>
        tpu.vector_store %arg11[%swap3A_140], %swap3A_143 {strides = array<i32>} : memref<128xf32, #tpu.memory_space<vmem>>, vector<16xf32>,
        %dma_start3A_144 = arith.constant 0 : i32
        %dma_start3A_145 = tpu.memref_slice %arg8[%scan3A_40, %dma_start3A_144] : memref<40x128xi32, #tpu.memory_space<vmem>> -> memref<1x128xi32, #tpu.memory_space<vmem>>
        %dma_start3A_146 = tpu.memref_squeeze %dma_start3A_145 : memref<1x128xi32, #tpu.memory_space<vmem>> -> memref<128xi32, #tpu.memory_space<vmem>>
        %dma_start3A_147 = arith.constant 0 : i32
        %dma_start3A_148 = tpu.memref_slice %arg13[%dma_start3A_147] : memref<51200xf32, #tpu.memory_space<vmem_shared>> -> memref<51200xf32, #tpu.memory_space<vmem_shared>>
        tpu.enqueue_indirect_dma source(%arg11 : memref<128xf32, #tpu.memory_space<vmem>>) target(%dma_start3A_148 : memref<51200xf32, #tpu.memory_space<vmem_shared>>) offsets(%dma_start3A_146 : memref<128xi32, #tpu.memory_space<vmem>>) semaphore(%arg15 : memref<!tpu.dma_semaphore, #tpu.memory_space<semaphore_mem>>) {add = true}
        %dma_wait3A_149 = arith.constant 0 : i32
        %dma_wait3A_150 = tpu.memref_slice %arg8[%scan3A_40, %dma_wait3A_149] : memref<40x128xi32, #tpu.memory_space<vmem>> -> memref<1x128xi32, #tpu.memory_space<vmem>>
        %dma_wait3A_151 = tpu.memref_squeeze %dma_wait3A_150 : memref<1x128xi32, #tpu.memory_space<vmem>> -> memref<128xi32, #tpu.memory_space<vmem>>
        %dma_wait3A_152 = arith.constant 0 : i32
        %dma_wait3A_153 = tpu.memref_slice %arg13[%dma_wait3A_152] : memref<51200xf32, #tpu.memory_space<vmem_shared>> -> memref<51200xf32, #tpu.memory_space<vmem_shared>>
        tpu.wait_indirect_dma semaphore(%arg15 : memref<!tpu.dma_semaphore, #tpu.memory_space<semaphore_mem>>) src(%arg11 : memref<128xf32, #tpu.memory_space<vmem>>) dst(%dma_wait3A_153 : memref<51200xf32, #tpu.memory_space<vmem_shared>>)
        %scan3A_154 = arith.constant 0 : i32
        scf.yield %scan3A_154 : i32
      }
      %scan3A_38 = arith.constant 40 : i32
      %scan3A_39 = arith.constant 0 : i32
      scf.yield %scan3A_39 : i32
    }
    %scan3A_14 = arith.constant 5 : i32
    %barrier3A_15 = arith.constant 0 : index
    tpu.barrier barrier_id(%barrier3A_15)
    %mul3A_16 = arith.constant 3200 : i32
    %mul3A_17 = arith.muli %arg1, %mul3A_16 : i32
    %mul3A_18 = arith.constant 51200 : i32
    %mul3A_19 = arith.muli %arg0, %mul3A_18 : i32
    %mul3A_20 = arith.constant 3200 : i32
    %mul3A_21 = arith.muli %arg1, %mul3A_20 : i32
    %add3A = arith.addi %mul3A_19, %mul3A_21 : i32
    "tpu.region"() ({
      %run_scoped3A = tpu.sem_alloc : memref<!tpu.dma_semaphore, #tpu.memory_space<semaphore_mem>>
      %dma_start3A = tpu.memref_slice %arg6[%add3A] : memref<102400xf32, #tpu.memory_space<hbm>> -> memref<3200xf32, #tpu.memory_space<hbm>>
      %dma_start3A_22 = tpu.memref_slice %arg13[%mul3A_17] : memref<51200xf32, #tpu.memory_space<vmem_shared>> -> memref<3200xf32, #tpu.memory_space<vmem_shared>>
      tpu.enqueue_dma source(%dma_start3A_22 : memref<3200xf32, #tpu.memory_space<vmem_shared>>) target(%dma_start3A : memref<3200xf32, #tpu.memory_space<hbm>>) target_semaphore(%run_scoped3A : memref<!tpu.dma_semaphore, #tpu.memory_space<semaphore_mem>>)
      %dma_wait3A = tpu.memref_slice %arg6[%add3A] : memref<102400xf32, #tpu.memory_space<hbm>> -> memref<3200xf32, #tpu.memory_space<hbm>>
      %dma_wait3A_23 = tpu.memref_slice %arg13[%mul3A_17] : memref<51200xf32, #tpu.memory_space<vmem_shared>> -> memref<3200xf32, #tpu.memory_space<vmem_shared>>
      tpu.wait_dma2 semaphore(%run_scoped3A : memref<!tpu.dma_semaphore, #tpu.memory_space<semaphore_mem>>) src(%dma_wait3A_23 : memref<3200xf32, #tpu.memory_space<vmem_shared>>) dst(%dma_wait3A : memref<3200xf32, #tpu.memory_space<hbm>>)
      tpu.yield
    }) : () -> ()
    return
  }
}

</mosaic_0001>

<sc_bundles>
// kernel: _sc_agg1.3.cloned.1.call-start
scs
__scs_entry_jumppad:
0x0: {  	(pc) =	sbr.rel $0x88, $3  }
0x1: {  	(tag) =	ssettag $0x0;
	lr =	simm.s32 $0x1  }
0x2: {  	[smem:$0x3F9D] =	sst lr;
	_ =	strace $0xD0000000  }
0x3: {  	_ = 	snop  }
0x4: {  	_ = 	snop  }
0x5: {  	_ = 	snop  }
0x6: {  	_ = 	snop  }
0x7: {  	_ = 	snop  }
__scs_overlays_trampoline_lowered:
0x8: {  	[smem:$0x3FAC] =	sst s0  }
0x9: {  	[smem:$0x3FAD] =	sst s1  }
0xa: {  	[smem:$0x3FAE] =	sst s2  }
0xb: {  	[smem:$0x3FAF] =	sst s3  }
0xc: {  	[smem:$0x3FB0] =	sst s4  }
0xd: {  	[smem:$0x3FB1] =	sst s5  }
0xe: {  	[smem:$0x3FB2] =	sst s6  }
0xf: {  	[smem:$0x3FB3] =	sst s7  }
0x10: {  	[smem:$0x3FB4] =	sst s8  }
0x11: {  	[smem:$0x3FB5] =	sst s9;
	s0 =	simm.s32 @!p0 $0x0  }
0x12: {  	s1 =	sld [smem:$0x3F9B];
	s0 =	simm.s32 @p0 $0x1  }
0x13: {  	[smem:$0x3FB6] =	sst s0;
	s0 =	simm.s32 @!p1 $0x0  }
0x14: {  	s2 =	sld [smem:$0x3F9A];
	s0 =	simm.s32 @p1 $0x1  }
0x15: {  	[smem:$0x3FB7] =	sst s0;
	s0 =	simm.s32 @!p2 $0x0  }
0x16: {  	s3 =	sld [smem:$0x3FDB];
	s0 =	simm.s32 @p2 $0x1  }
0x17: {  	s4 =	simm.s32 $0x1BF5;
	[smem:$0x3FB9] =	sst s0  }
0x18: {  	s0 =	sld [smem:$0x3F9C];
	_ =	swait.ge [sflag:s4], $0x0  }
0x19: {  	s7 =	sld [smem:$0x3F9D]  }
0x1a: {  	s8 =	sadd.s32 $0xFFFFE003, lr  }
0x1b: {  	s9 =	sadd.s32 $0xFFFFFEF7, lr;
	s5 =	simm.s32 $0xFFFFFFFF;
	p2 =	slt.u32 s8, $0xFFFFF086  }
0x1c: {  	p1 =	slt.u32 s9, $0xF7A;
	s5 =	simm.s32 @!p2 $0x0  }
0x1d: {  	s5 =	simm.s32 @p1 $0x1;
	p0 =	seq.s32 s7, s2  }
0x1e: {  	s7 =	smul.u32 @!p0 $0xF7A, s2;
	p2 =	seq.s32 @!p0 s5, $0x0  }
0x1f: {  	s9 =	smul.u32 $0xF7A, s1;
	s8 =	simm.s32 @!p0 $0x1BF5;
	p2 =	por !p2, p0  }
0x20: {  	[sflag:s8] =	ssyncset.s32 @!p0 $0xFFFFF086;
	s6 =	sadd.s32 @!p0 s3, s7;
	s7 =	simm.s32 @!p0 $0x108  }
0x21: {  	s3 =	sadd.s32 s3, s9;
	s6 =	sadd.s32 @!p0 $0x88, s6;
	s7 =	simm.s32 @p2 $0x1082  }
0x22: {  	[simem:s7], [sflag:s8] =	dma.local @!p0 [hbm:s6], $0xF7A  }
0x23: {  	s9 =	sor.u32 $0xD0000000, s2;
	s6 =	simm.s32 $0x108;
	_ =	swait.ge @!p0 [sflag:s8], $0x0  }
0x24: {  	s3 =	sadd.s32 $0x88, s3;
	s6 =	simm.s32 @!p1 $0x1082;
	[sflag:s4] =	ssyncset.s32 $0xFFFFF086  }
0x25: {  	[simem:s6], [sflag:s4] =	dma.local [hbm:s3], $0xF7A  }
0x26: {  	[smem:$0x3F9D] =	sst s1;
	(tag) =	ssettag s2;
	_ =	strace s9  }
0x27: {  	s1 =	sld [smem:$0x3FAD]  }
0x28: {  	s2 =	sld [smem:$0x3FAE]  }
0x29: {  	s4 =	sld [smem:$0x3FB0]  }
0x2a: {  	p0 =	seq.s32 s5, $0x0;
	s5 =	sld [smem:$0x3FB1]  }
0x2b: {  	s6 =	sld [smem:$0x3FB2]  }
0x2c: {  	s7 =	sld [smem:$0x3FB3]  }
0x2d: {  	s3 =	simm.s32 $0x108;
	s8 =	sld [smem:$0x3FB4]  }
0x2e: {  	s3 =	simm.s32 @!p0 $0x1082;
	s9 =	sld [smem:$0x3FB5]  }
0x2f: {  	lr =	sadd.s32 s0, s3;
	s0 =	sld [smem:$0x3FAC]  }
0x30: {  	s3 =	sld [smem:$0x3FAF]  }
0x31: {  	[smem:$0x3FB8] =	sst s10  }
0x32: {  	s10 =	sld [smem:$0x3FB6];
	_ =	sdelay $0x3  }
0x33: {  	p0 =	seq.s32 s10, $0x1;
	s10 =	sld [smem:$0x3FB8];
	_ =	sdelay $0x3  }
0x34: {  	[smem:$0x3FB8] =	sst s10  }
0x35: {  	s10 =	sld [smem:$0x3FB7];
	_ =	sdelay $0x3  }
0x36: {  	p1 =	seq.s32 s10, $0x1;
	s10 =	sld [smem:$0x3FB8];
	_ =	sdelay $0x3  }
0x37: {  	[smem:$0x3FB8] =	sst s10  }
0x38: {  	s10 =	sld [smem:$0x3FB9]  }
0x39: {  	_ = 	snop;
	(pc) =	sbr.ind lr, $3  }
0x3a: {  	_ = 	snop  }
0x3b: {  	_ = 	snop  }
0x3c: {  	p2 =	seq.s32 s10, $0x1;
	s10 =	sld [smem:$0x3FB8]  }
0x3d: {  	_ =	shalt  }
0x3e: {  	_ =	shalt  }
0x3f: {  	_ =	shalt  }
0x40: {  	_ =	shalt  }
0x41: {  	_ =	shalt  }
0x42: {  	_ =	shalt  }
0x43: {  	_ =	shalt  }
0x44: {  	_ =	shalt  }
0x45: {  	_ =	shalt  }
0x46: {  	_ =	shalt  }
0x47: {  	_ =	shalt  }
0x48: {  	_ =	shalt  }
0x49: {  	_ =	shalt  }
0x4a: {  	_ =	shalt  }
0x4b: {  	_ =	shalt  }
0x4c: {  	_ =	shalt  }
0x4d: {  	_ =	shalt  }
0x4e: {  	_ =	shalt  }
0x4f: {  	_ =	shalt  }
0x50: {  	_ =	shalt  }
0x51: {  	_ =	shalt  }
0x52: {  	_ =	shalt  }
0x53: {  	_ =	shalt  }
0x54: {  	_ =	shalt  }
0x55: {  	_ =	shalt  }
0x56: {  	_ =	shalt  }
0x57: {  	_ =	shalt  }
0x58: {  	_ =	shalt  }
0x59: {  	_ =	shalt  }
0x5a: {  	_ =	shalt  }
0x5b: {  	_ =	shalt  }
0x5c: {  	_ =	shalt  }
0x5d: {  	_ =	shalt  }
0x5e: {  	_ =	shalt  }
0x5f: {  	_ =	shalt  }
0x60: {  	_ =	shalt  }
0x61: {  	_ =	shalt  }
0x62: {  	_ =	shalt  }
0x63: {  	_ =	shalt  }
0x64: {  	_ =	shalt  }
0x65: {  	_ =	shalt  }
0x66: {  	_ =	shalt  }
0x67: {  	_ =	shalt  }
0x68: {  	_ =	shalt  }
0x69: {  	_ =	shalt  }
0x6a: {  	_ =	shalt  }
0x6b: {  	_ =	shalt  }
0x6c: {  	_ =	shalt  }
0x6d: {  	_ =	shalt  }
0x6e: {  	_ =	shalt  }
0x6f: {  	_ =	shalt  }
0x70: {  	_ =	shalt  }
0x71: {  	_ =	shalt  }
0x72: {  	_ =	shalt  }
0x73: {  	_ =	shalt  }
0x74: {  	_ =	shalt  }
0x75: {  	_ =	shalt  }
0x76: {  	_ =	shalt  }
0x77: {  	_ =	shalt  }
0x78: {  	_ =	shalt  }
0x79: {  	_ =	shalt  }
0x7a: {  	_ =	shalt  }
0x7b: {  	_ =	shalt  }
0x7c: {  	_ =	shalt  }
0x7d: {  	_ =	shalt  }
0x7e: {  	_ =	shalt  }
0x7f: {  	_ =	shalt  }
0x80: {  	_ =	shalt  }
0x81: {  	_ =	shalt  }
0x82: {  	_ =	shalt  }
0x83: {  	_ =	shalt  }
0x84: {  	_ =	shalt  }
0x85: {  	_ =	shalt  }
0x86: {  	_ =	shalt  }
0x87: {  	_ =	shalt  }
.Lfunc_end0:
.L_simem_size_0:
called_computation_lowered:
.L_overlay_start_0:
0x88: {  	s2 =	sld [smem:$0x3FD9]  }
0x89: {  	s3 =	sld [smem:$0x3FFE];
	_ =	sdelay $0x1  }
0x8a: {  	s1 =	srdreg.scid  }
0x8b: {  	s0 =	sand.u32 $0x1, s1  }
0x8c: {  	s18 =	sshll.u32 s0, $0xA;
	s2 =	sadd.s32 s3, s2  }
0x8d: {  	s2 =	sadd.s32 s2, s18  }
0x8e: {  	[smem:$0x3FC4] =	sst s2  }
0x8f: {  	_ = 	snop  }
0x90: {  	s2 =	sld [smem:$0x3FC9]  }
0x91: {  	s19 =	sld [smem:$0x3FC8]  }
0x92: {  	s4 =	sld [smem:$0x3FC7]  }
0x93: {  	s5 =	sld [smem:$0x3FC6]  }
0x94: {  	s6 =	sld [smem:$0x3FD0];
	(tm) =	ssettm $0x1  }
0x95: {  	s7 =	sld [smem:$0x3FFB];
	_ =	sdelay $0x3  }
0x96: {  	_ =	strace s7  }
0x97: {  	s7 =	sld [smem:$0x3FFC];
	_ =	sdelay $0x3  }
0x98: {  	_ =	strace s7  }
0x99: {  	s7 =	sld [smem:$0x3FFD];
	_ =	sdelay $0x3  }
0x9a: {  	_ =	strace s7  }
0x9b: {  	_ =	strace $0x8FFFFFFF  }
0x9c: {  	s20 =	sld [smem:$0x3FDB];
	_ =	sdelay $0x1  }
0x9d: {  	s8 =	simm.s32 $_scs_section_size  }
0x9e: {  	s9 =	simm.s32 $_size__tile_overlayer_lowered;
	s10 =	simm.s32 $_tile_overlayer_lowered  }
0x9f: {  	s23 =	simm.s32 $0x1BFF;
	s22 =	sshll.u32 s10, $0x1;
	s7 =	sadd.s32 s8, s20  }
0xa0: {  	s11 =	simm.s32 $0x0;
	s21 =	sshll.u32 s9, $0x1;
	s9 =	sadd.s32 s22, s7  }
0xa1: {  	[timem:s11], [sflag:s23] =	dma.local [hbm:s9], s21  }
0xa2: {  	_ =	swait.ge [sflag:s23], s21  }
0xa3: {  	s8 =	ssub.s32 $0x0, s21;
	[sflag:s23] =	ssyncset.done $0x0  }
0xa4: {  	[sflag:s23] =	ssyncadd.s32 s8;
	_ =	sdelay $0x1  }
0xa5: {  	s24 =	simm.s32 $0x1B8B  }
0xa6: {  	_ =	swait.ge [sflag:s24], $0x1  }
0xa7: {  	[sflag:s24] =	ssyncset.done $0x0  }
0xa8: {  	s25 =	simm.s32 $0x1B8E;
	[sflag:s24] =	ssyncadd.s32 $0xFFFFFFFF  }
0xa9: {  	s26 =	simm.s32 $execute0_lowered;
	[smem:$0x3FD2] =	sst s25  }
0xaa: {  	s8 =	sshll.u32 s26, $0x1;
	_ =	strace $0x80000046;
	[dreg:$0x1] =	wrdreg $0xFFFFFFFF  }
0xab: {  	s28 =	simm.s32 $_size_execute0_lowered;
	s7 =	sadd.s32 s7, s8;
	[dreg:$0x0] =	wrdreg $0x0  }
0xac: {  	s8 =	sshll.u32 s28, $0x1;
	[dreg:$0x2] =	wrdreg s7  }
0xad: {  	[dreg:$0x3] =	wrdreg s8  }
0xae: {  	[dreg:$0x4] =	wrdreg $0xC0  }
0xaf: {  	_ =	task [dreg:s11], $0x5FFFF  }
0xb0: {  	[dreg:$0x1] =	wrdreg $0xFFFFFFFF  }
0xb1: {  	[dreg:$0x0] =	wrdreg $0x60  }
0xb2: {  	[dreg:$0x2] =	wrdreg s2  }
0xb3: {  	[dreg:$0x3] =	wrdreg s19  }
0xb4: {  	[dreg:$0x4] =	wrdreg s4  }
0xb5: {  	[dreg:$0x5] =	wrdreg s5  }
0xb6: {  	[dreg:$0x6] =	wrdreg s6  }
0xb7: {  	[dreg:$0x7] =	wrdreg $0x49800  }
0xb8: {  	[dreg:$0x8] =	wrdreg $0x9  }
0xb9: {  	_ =	task.clear_ibuf [dreg:s11], $0x9FFFF;
	_ =	strace $0x90000046  }
0xba: {  	s29 =	simm.s32 $0x9;
	_ =	strace $0x80000048  }
0xbb: {  	_ =	swait.ge [sflag:s29], $0x1  }
0xbc: {  	[sflag:s29] =	ssyncadd.s32 $0xFFFFFFFF  }
0xbd: {  	_ =	strace $0x90000048  }
0xbe: {  	_ =	sfence  }
0xbf: {  	s30 =	sld [smem:$0x0];
	_ =	sdelay $0x2  }
0xc0: {  	s31 =	sshll.u32 s1, $0xD;
	s1 =	sshrl.u32 s1, $0x2  }
0xc1: {  	s3 =	sand.u32 $0x4000, s31;
	s1 =	sadd.s32 s1, s30  }
0xc2: {  	s0 =	sor.u32 s3, s0;
	s1 =	sshll.u32 s1, $0x11  }
0xc3: {  	s0 =	sor.u32 s1, s0  }
0xc4: {  	s0 =	sadd.s32 $0x8F2B, s0  }
0xc5: {  	[sflag:s0] =	ssyncadd.remote.s32 $0x1  }
0xc6: {  	_ =	sfence.sel $0xFFFF  }
0xc7: {  	[dreg:$0x0] =	wrdreg $0xFFFFFFFF;
	(pc) =	sbr.abs _section_cstart, $3  }
0xc8: {  	[dreg:$0x1] =	wrdreg $0xFFFFFFFF  }
0xc9: {  	_ =	task.clear_ibuf [dreg:s11], $0x2FFFF;
	_ =	strace $0x9FFFFFFF  }
0xca: {  	(tm) =	ssettm $0x7FFFFFFF  }
0xcb: {  	_ =	shalt  }
tec
execute0_lowered:
.L_overlay_start_1:
0x0: {  	(tag) =	ssettag $0x1  }
0x1: {  	s1 =	rddreg [dreg:$0x0]  }
0x2: {  	s2 =	rddreg [dreg:$0x1]  }
0x3: {  	s3 =	rddreg [dreg:$0x2]  }
0x4: {  	s4 =	rddreg [dreg:$0x3]  }
0x5: {  	s10 =	rddreg [dreg:$0x4]  }
0x6: {  	s6 =	rddreg [dreg:$0x5]  }
0x7: {  	s0 =	rddreg [dreg:$0x6];
	s8 =	srdreg.scid  }
0x8: {  	s5 =	stileid.u32;
	s7 =	simm.s32 $0x0;
	s15 =	simm.s32 $0x2800  }
0x9: {  	s16 =	simm.s32 $0x80;
	s17 =	simm.s32 $0x3C00;
	s18 =	simm.s32 $0x1  }
0xa: {  	s19 =	simm.s32 $0x3C80;
	s20 =	simm.s32 $0x2;
	s9 =	smul.u32 $0xC80, s5  }
0xb: {  	s8 =	sand.u32 $0x1, s8;
	[smem:$0x7FF] =	sst s7;
	s14 =	smul.u32 $0xC8, s5  }
0xc: {  	s21 =	sshll.u32 s5, $0x6;
	s11 =	smul.u32 $0xC800, s8;
	_ =	strace $0x80000047  }
0xd: {  	s12 =	ssub.s32 $0x2, s8;
	s13 =	smul.u32 $0xC80, s8;
	s21 =	sor.u32 $0x1C03, s21  }
0xe: {  	s31 =	sshrl.u32 s12, $0x1;
	s8 =	sadd.s32 s9, s6;
	s11 =	sadd.s32 s9, s11  }
0xf: {  	s12 =	ssub.s32 s12, s31;
	s9 =	sadd.s32 s14, s13;
	s13 =	simm.s32 $0x3  }
0x10: {  	s14 =	simm.s32 $0x1400;
	s22 =	sshrl.u32 s8, $0x3;
	s11 =	sshrl.u32 s11, $0x3  }
0x11: {  	v0 =	vimm.f32 $0.0e+00;
	s10 =	sadd.s32 s10, s11;
	s11 =	smax.u32 s12, $0x1;
	s12 =	simm.s32 $0x3D00  }
.LBB2_1:
0x12: {  	s23 =	simm.s32 $0x40;
	s24 =	simm.s32 $0x0  }
.LBB2_2:
0x13: {  	p0 =	sne.s32 s23, $0x31C0;
	[tilespmem:s24+$0x3D00] =	vst v0;
	s24 =	smov.u32 s23;
	s23 =	sadd.s32 $0x40, s23  }
.Ltmp0:
0x14: {  	(pc) =	sbr.rel @p0 .LBB2_2-.Ltmp0, $2  }
0x15: {  	_ =	sdelay $0x2  }
0x16: {  	s24 =	sshra.s32 s24, $0x2  }
0x17: {  	[tilespmem:s24+$0x3D00] =	vst v0  }
0x18: {  	[spmem:s8] =	stream.linear.scatter [tilespmem:s12], [sflag:$0x3], $0xC80, $0x38;
	[tilespmem:$0x5600] =	vst v63  }
0x19: {  	_ =	swait.ge [sflag:s13], $0xC80  }
0x1a: {  	[sflag:s13] =	ssyncset.done $0x0  }
0x1b: {  	[sflag:s13] =	ssyncadd.s32 $0xFFFFF380  }
0x1c: {  	s23 =	simm.s32 $0x0;
	s24 =	simm.s32 $0x0;
	[bflag:$0x0] =	sbarrier.arrive $0xFFFF  }
.LBB2_4:
0x1d: {  	s25 =	smul.u32 $0x28, s24;
	_ =	sdelay $0x1  }
0x1e: {  	s25 =	sadd.s32 s25, s9  }
0x1f: {  	s25 =	sshll.u32 s25, $0x4  }
0x20: {  	s26 =	sadd.s32 s2, s25  }
0x21: {  	[tilespmem:s23], [sflag:$0x3] =	stream.linear.gather [hbm4b:s26+s23], $0x1400, $0x38;
	[tilespmem:$0x5600] =	vst v63  }
0x22: {  	_ =	swait.ge [sflag:s13], $0x1400  }
0x23: {  	[sflag:s13] =	ssyncset.done $0x0  }
0x24: {  	s29 =	sadd.s32 s3, s25;
	[sflag:s13] =	ssyncadd.s32 $0xFFFFEC00  }
0x25: {  	[tilespmem:s14], [sflag:$0x3] =	stream.linear.gather [hbm4b:s29+s23], $0x1400, $0x38;
	[tilespmem:$0x5600] =	vst v63  }
0x26: {  	_ =	swait.ge [sflag:s13], $0x1400  }
0x27: {  	[sflag:s13] =	ssyncset.done $0x0  }
0x28: {  	s25 =	sadd.s32 s4, s25;
	[sflag:s13] =	ssyncadd.s32 $0xFFFFEC00  }
0x29: {  	[tilespmem:s15], [sflag:$0x3] =	stream.linear.gather [hbm4b:s25+s23], $0x1400, $0x38;
	[tilespmem:$0x5600] =	vst v63  }
0x2a: {  	_ =	swait.ge [sflag:s13], $0x1400  }
0x2b: {  	[sflag:s13] =	ssyncset.done $0x0  }
0x2c: {  	s30 =	simm.s32 $0x0;
	[sflag:s13] =	ssyncadd.s32 $0xFFFFEC00  }
0x2d: {  	[tilespmem:s17], [sflag:$0x1] =	stream.indirect.gather [hbm4b:s1+s16], $0x1, s30, s16, $0xb8;
	[tilespmem:$0x5600] =	vst v63  }
0x2e: {  	_ =	swait.ge [sflag:s18], $0x80  }
0x2f: {  	[sflag:s18] =	ssyncset.done $0x0  }
0x30: {  	[sflag:s18] =	ssyncadd.s32 $0xFFFFFF80  }
0x31: {  	v1 =	vld [tilespmem:$0x3C00]  }
0x32: {  	v2 =	vld [tilespmem:s30+$0x2800];
	_ =	sdelay $0x4  }
0x33: {  	v1 =	vmul.f32 v2, v1;
	_ =	sdelay $0x1  }
0x34: {  	[tilespmem:$0x3C80] =	vst v1;
	v1 =	vld [tilespmem:$0x3C10]  }
0x35: {  	v2 =	vld [tilespmem:s30+$0x2810];
	_ =	sdelay $0x4  }
0x36: {  	v1 =	vmul.f32 v2, v1;
	_ =	sdelay $0x1  }
0x37: {  	[tilespmem:$0x3C90] =	vst v1;
	v1 =	vld [tilespmem:$0x3C20]  }
0x38: {  	v2 =	vld [tilespmem:s30+$0x2820];
	_ =	sdelay $0x4  }
0x39: {  	v1 =	vmul.f32 v2, v1;
	_ =	sdelay $0x1  }
0x3a: {  	[tilespmem:$0x3CA0] =	vst v1;
	v1 =	vld [tilespmem:$0x3C30]  }
0x3b: {  	v2 =	vld [tilespmem:s30+$0x2830];
	_ =	sdelay $0x4  }
0x3c: {  	v1 =	vmul.f32 v2, v1;
	_ =	sdelay $0x1  }
0x3d: {  	[tilespmem:$0x3CB0] =	vst v1;
	v1 =	vld [tilespmem:$0x3C40]  }
0x3e: {  	v2 =	vld [tilespmem:s30+$0x2840];
	_ =	sdelay $0x4  }
0x3f: {  	v1 =	vmul.f32 v2, v1;
	_ =	sdelay $0x1  }
0x40: {  	[tilespmem:$0x3CC0] =	vst v1;
	v1 =	vld [tilespmem:$0x3C50]  }
0x41: {  	v2 =	vld [tilespmem:s30+$0x2850];
	_ =	sdelay $0x4  }
0x42: {  	v1 =	vmul.f32 v2, v1;
	_ =	sdelay $0x1  }
0x43: {  	[tilespmem:$0x3CD0] =	vst v1;
	v1 =	vld [tilespmem:$0x3C60]  }
0x44: {  	v2 =	vld [tilespmem:s30+$0x2860];
	_ =	sdelay $0x4  }
0x45: {  	v1 =	vmul.f32 v2, v1;
	_ =	sdelay $0x1  }
0x46: {  	[tilespmem:$0x3CE0] =	vst v1;
	v1 =	vld [tilespmem:$0x3C70]  }
0x47: {  	v2 =	vld [tilespmem:s30+$0x2870];
	_ =	sdelay $0x4  }
0x48: {  	v1 =	vmul.f32 v2, v1;
	_ =	sdelay $0x1  }
0x49: {  	s31 =	simm.s32 $0x1400;
	[tilespmem:$0x3CF0] =	vst v1  }
0x4a: {  	[spmem:s6] =	stream.indirect.scatter.add.f32 [tilespmem:s19], [sflag:$0x2], $0x1, s31, s16, $0xb8;
	[tilespmem:$0x5600] =	vst v63  }
0x4b: {  	s25 =	simm.s32 $0x200;
	_ =	swait.ge [sflag:s20], $0x80  }
.LBB2_5:
0x4c: {  	p0 =	sne.s32 s25, $0x4E00  }
0x4d: {  	[sflag:s20] =	ssyncset.done $0x0;
	s26 =	smov.u32 s25;
	s25 =	sadd.s32 $0x200, s25  }
0x4e: {  	s26 =	sshra.s32 s26, $0x2;
	[sflag:s20] =	ssyncadd.s32 $0xFFFFFF80  }
0x4f: {  	[tilespmem:s17], [sflag:$0x1] =	stream.indirect.gather [hbm4b:s1+s16], $0x1, s26, s16, $0xb8;
	[tilespmem:$0x5600] =	vst v63  }
0x50: {  	_ =	swait.ge [sflag:s18], $0x80  }
0x51: {  	[sflag:s18] =	ssyncset.done $0x0  }
0x52: {  	[sflag:s18] =	ssyncadd.s32 $0xFFFFFF80  }
0x53: {  	v1 =	vld [tilespmem:$0x3C00]  }
0x54: {  	v2 =	vld [tilespmem:s26+$0x2800];
	_ =	sdelay $0x4  }
0x55: {  	v1 =	vmul.f32 v2, v1;
	_ =	sdelay $0x1  }
0x56: {  	[tilespmem:$0x3C80] =	vst v1;
	v1 =	vld [tilespmem:$0x3C10]  }
0x57: {  	v2 =	vld [tilespmem:s26+$0x2810];
	_ =	sdelay $0x4  }
0x58: {  	v1 =	vmul.f32 v2, v1;
	_ =	sdelay $0x1  }
0x59: {  	[tilespmem:$0x3C90] =	vst v1;
	v1 =	vld [tilespmem:$0x3C20]  }
0x5a: {  	v2 =	vld [tilespmem:s26+$0x2820];
	_ =	sdelay $0x4  }
0x5b: {  	v1 =	vmul.f32 v2, v1;
	_ =	sdelay $0x1  }
0x5c: {  	[tilespmem:$0x3CA0] =	vst v1;
	v1 =	vld [tilespmem:$0x3C30]  }
0x5d: {  	v2 =	vld [tilespmem:s26+$0x2830];
	_ =	sdelay $0x4  }
0x5e: {  	v1 =	vmul.f32 v2, v1;
	_ =	sdelay $0x1  }
0x5f: {  	[tilespmem:$0x3CB0] =	vst v1;
	v1 =	vld [tilespmem:$0x3C40]  }
0x60: {  	v2 =	vld [tilespmem:s26+$0x2840];
	_ =	sdelay $0x4  }
0x61: {  	v1 =	vmul.f32 v2, v1;
	_ =	sdelay $0x1  }
0x62: {  	[tilespmem:$0x3CC0] =	vst v1;
	v1 =	vld [tilespmem:$0x3C50]  }
0x63: {  	v2 =	vld [tilespmem:s26+$0x2850];
	_ =	sdelay $0x4  }
0x64: {  	v1 =	vmul.f32 v2, v1;
	_ =	sdelay $0x1  }
0x65: {  	[tilespmem:$0x3CD0] =	vst v1;
	v1 =	vld [tilespmem:$0x3C60]  }
0x66: {  	v2 =	vld [tilespmem:s26+$0x2860];
	_ =	sdelay $0x4  }
0x67: {  	v1 =	vmul.f32 v2, v1;
	_ =	sdelay $0x1  }
0x68: {  	[tilespmem:$0x3CE0] =	vst v1;
	v1 =	vld [tilespmem:$0x3C70]  }
0x69: {  	v2 =	vld [tilespmem:s26+$0x2870];
	_ =	sdelay $0x4  }
.Ltmp1:
0x6a: {  	v1 =	vmul.f32 v2, v1;
	(pc) =	sbr.rel @p0 .LBB2_5-.Ltmp1, $4  }
0x6b: {  	s26 =	sadd.s32 $0x1400, s26  }
0x6c: {  	[tilespmem:$0x3CF0] =	vst v1  }
0x6d: {  	[spmem:s6] =	stream.indirect.scatter.add.f32 [tilespmem:s19], [sflag:$0x2], $0x1, s26, s16, $0xb8;
	[tilespmem:$0x5600] =	vst v63  }
0x6e: {  	_ =	swait.ge [sflag:s20], $0x80  }
0x6f: {  	s24 =	sadd.s32 $0x1, s24  }
0x70: {  	p0 =	sne.s32 s24, $0x5  }
.Ltmp2:
0x71: {  	_ = 	snop;
	(pc) =	sbr.rel @p0 .LBB2_4-.Ltmp2, $3  }
0x72: {  	_ =	sdelay $0x1  }
0x73: {  	[sflag:s20] =	ssyncset.done $0x0  }
0x74: {  	[sflag:s20] =	ssyncadd.s32 $0xFFFFFF80  }
0x75: {  	s7 =	sadd.s32 $0x1, s7  }
0x76: {  	p0 =	sne.s32 s7, s11  }
.Ltmp3:
0x77: {  	[bflag:$0x0] =	sbarrier.arrive $0xFFFF;
	(pc) =	sbr.rel @p0 .LBB2_1-.Ltmp3, $4  }
0x78: {  	[hbm:s10], [sflag:s21] =	dma.local [spmem:s22], $0x190  }
0x79: {  	_ =	swait.ge [sflag:s13], $0x190  }
0x7a: {  	[sflag:s13] =	ssyncset.done $0x0  }
0x7b: {  	[sflag:s13] =	ssyncadd.s32 $0xFFFFFE70  }
0x7c: {  	_ =	sfence.sel $0x180000  }
0x7d: {  	[bflag:$0x0] =	sbarrier.arrive $0xFFFF  }
0x7e: {  	p0 =	sne.s32 s5, $0x0;
	_ =	strace $0x90000047  }
0x7f: {  	s0 =	sadd.s32 @!p0 $0x100000, s0;
	[bflag:$0x2] =	sbarrier.arrive $0xFFFF  }
0x80: {  	[sflag:s0] =	ssyncadd.tile.s32 @!p0 $0x1;
	_ =	shalt  }
.Lfunc_end2:
_tile_overlayer_lowered:
.L_overlay_start_2:
0x81: {  	(tag) =	ssettag $0x2  }
0x82: {  	s0 =	rddreg [dreg:$0x0];
	s2 =	stileid.u32  }
0x83: {  	s1 =	rddreg [dreg:$0x1];
	p0 =	sne.s32 s2, $0x0  }
0x84: {  	s3 =	rddreg [dreg:$0x2];
	[bflag:$0x3] =	sbarrier.arrive $0xFFFF;
	s2 =	simm.s32 @!p0 $0x1C03  }
0x85: {  	[timem:s3], [sflag:s2] =	dma.local @!p0 [hbm:s0], s1  }
0x86: {  	s0 =	simm.s32 @!p0 $0x3  }
0x87: {  	_ =	swait.ge @!p0 [sflag:s0], s1  }
0x88: {  	s1 =	ssub.s32 @!p0 $0x0, s1;
	[sflag:s0] =	ssyncset.done @!p0 $0x0  }
0x89: {  	[sflag:s0] =	ssyncadd.s32 @!p0 s1  }
0x8a: {  	[bflag:$0x3] =	sbarrier.arrive $0xFFFF  }
0x8b: {  	_ =	shalt  }

</sc_bundles>
